<compile_context>
chip_gen: v7x
topology: tpu7x:2x2x1
jax: 0.10.2.dev20260603
libtpu: 0.0.44.dev20260713+nightly
codegen_flags: <defaults>
</compile_context>

<pallas_src>
import functools
import jax
import jax.numpy as jnp
from jax import lax
from jax.experimental import pallas as pl
from jax.experimental.pallas import tpu as pltpu
from jax.experimental.pallas import tpu_sc as plsc

NUM_HEADS = 16
MAX_DISTANCE = 60
SEQ = 2048
A = 2040
LPAD = 4096


@functools.lru_cache(maxsize=1)
def _make_sc_kernel():
    mesh = plsc.VectorSubcoreMesh(
        core_axis_name="c", subcore_axis_name="s", num_cores=2, num_subcores=16
    )

    @functools.partial(
        pl.kernel,
        out_type=jax.ShapeDtypeStruct((NUM_HEADS * SEQ // 8, 8, SEQ), jnp.float32),
        mesh=mesh,
        scratch_types=[
            pltpu.VMEM((8, LPAD), jnp.float32),
            pltpu.SemaphoreType.DMA,
        ],
        compiler_params=pltpu.CompilerParams(use_tc_tiling_on_sc=False),
    )
    def sc_kernel(w8_hbm, out_hbm, bank_v, sem):
        wid = lax.axis_index("s") * 2 + lax.axis_index("c")
        head = wid // 2
        half = wid % 2
        pltpu.sync_copy(w8_hbm.at[head], bank_v)
        p0 = half * (SEQ // 2) // 8
        ngroups = (SEQ // 2) // 8

        def copy(p):
            return pltpu.make_async_copy(
                bank_v.at[:, pl.ds(A - 8 * p, SEQ)],
                out_hbm.at[head * (SEQ // 8) + p],
                sem,
            )

        def group(g, carry):
            copy(p0 + g).start()

            @pl.when(g > 0)
            def _():
                copy(p0 + g - 1).wait()

            return carry

        lax.fori_loop(0, ngroups, group, 0)
        copy(p0 + ngroups - 1).wait()

    return sc_kernel


@jax.jit
def kernel(seq_len, table):
    del seq_len
    m = jnp.arange(LPAD)
    s = jnp.arange(8)
    d = m[None, :] - s[:, None] - A
    idx = jnp.clip(d, -MAX_DISTANCE, MAX_DISTANCE) + MAX_DISTANCE
    w8 = jnp.transpose(table[idx], (2, 0, 1))
    out = _make_sc_kernel()(w8)
    return out.reshape(NUM_HEADS, SEQ, SEQ)

# --- scband reference (transcript-rebuilt; emitter-appended) ---
"""Pipeline reference for scband-relative-position-bias-5875515261486 (READ-ONLY COPY).

The authoritative reference and input builder live on the scoring server;
editing this copy changes nothing except your own understanding.
"""

import jax, jax.numpy as jnp
import numpy as np

NUM_HEADS = 16
MAX_DISTANCE = 60

def setup_inputs(seed: int = 0) -> dict:
    key = jax.random.key(seed)
    table = jax.random.normal(key, (2 * MAX_DISTANCE + 1, NUM_HEADS), dtype=jnp.float32)
    return {"seq_len": 2048, "table": table}

def reference(seq_len, table):
    positions = jnp.arange(2048) + (seq_len - 2048)
    relative_positions = positions[None, :] - positions[:, None]
    relative_positions = jnp.clip(relative_positions, -MAX_DISTANCE, MAX_DISTANCE) + MAX_DISTANCE
    # embedding lookup: gather rows of the bias table by relative position index
    bias = jnp.take(table, relative_positions, axis=0)  # [seq_len, seq_len, num_heads]
    return jnp.transpose(bias, (2, 0, 1))  # [num_heads, seq_len, seq_len]

if __name__ == "__main__":
    import jax
    _d = setup_inputs()
    print(jax.jit(kernel)(*tuple(_d.values())))

</pallas_src>

<mosaic_0001>
#map = affine_map<(d0, d1) -> (0, 0, 0)>
module attributes {stable_mosaic.version = 14 : i64} {
  func.func @sc_kernel(%arg0: i32, %arg1: i32, %arg2: memref<16x8x4096xf32, #tpu.memory_space<hbm>>, %arg3: memref<4096x8x2048xf32, #tpu.memory_space<hbm>>, %arg4: memref<8x4096xf32, #tpu.memory_space<vmem>>, %arg5: memref<!tpu.dma_semaphore, #tpu.memory_space<semaphore_mem>>) attributes {dimension_semantics = [#tpu.dimension_semantics<core_parallel>, #tpu.dimension_semantics<subcore_parallel>], iteration_bounds = array<i64: 2, 16>, scalar_prefetch = 0 : i64, scratch_operands = 2 : i64, tpu.core_type = #tpu.core_type<sc_vector_subcore>, window_params = [{transform_indices = #map}, {transform_indices = #map}]} {
    %mul3A = arith.constant 2 : i32
    %mul3A_0 = arith.muli %arg1, %mul3A : i32
    %add3A = arith.addi %mul3A_0, %arg0 : i32
    %jit3A = arith.constant 2 : i32
    %div3A = arith.divsi %add3A, %jit3A : i32
    %sign3A = arith.constant 0 : i32
    %sign3A_1 = arith.cmpi sgt, %add3A, %sign3A : i32
    %sign3A_2 = arith.extui %sign3A_1 : i1 to i32
    %sign3A_3 = arith.constant 0 : i32
    %sign3A_4 = arith.cmpi slt, %add3A, %sign3A_3 : i32
    %sign3A_5 = arith.extui %sign3A_4 : i1 to i32
    %sign3A_6 = arith.subi %sign3A_2, %sign3A_5 : i32
    %sign3A_7 = arith.constant 0 : i32
    %sign3A_8 = arith.cmpi sgt, %jit3A, %sign3A_7 : i32
    %sign3A_9 = arith.extui %sign3A_8 : i1 to i32
    %sign3A_10 = arith.constant 0 : i32
    %sign3A_11 = arith.cmpi slt, %jit3A, %sign3A_10 : i32
    %sign3A_12 = arith.extui %sign3A_11 : i1 to i32
    %sign3A_13 = arith.subi %sign3A_9, %sign3A_12 : i32
    %ne3A = arith.cmpi ne, %sign3A_6, %sign3A_13 : i32
    %rem3A = arith.remsi %add3A, %jit3A : i32
    %ne3A_14 = arith.constant 0 : i32
    %ne3A_15 = arith.cmpi ne, %rem3A, %ne3A_14 : i32
    %and3A = arith.andi %ne3A, %ne3A_15 : i1
    %sub3A = arith.constant 1 : i32
    %sub3A_16 = arith.subi %div3A, %sub3A : i32
    %select_n3A = arith.select %and3A, %sub3A_16, %div3A : i32
    %jit3A_17 = arith.constant 2 : i32
    %eq3A = arith.constant 0 : i32
    %eq3A_18 = arith.cmpi eq, %jit3A_17, %eq3A : i32
    %jit3A_19 = arith.constant 1 : i32
    %select_n3A_20 = arith.select %eq3A_18, %jit3A_19, %jit3A_17 : i32
    %rem3A_21 = arith.remsi %add3A, %select_n3A_20 : i32
    %ne3A_22 = arith.constant 0 : i32
    %ne3A_23 = arith.cmpi ne, %rem3A_21, %ne3A_22 : i32
    %lt3A = arith.constant 0 : i32
    %lt3A_24 = arith.cmpi slt, %rem3A_21, %lt3A : i32
    %lt3A_25 = arith.constant 0 : i32
    %lt3A_26 = arith.cmpi slt, %select_n3A_20, %lt3A_25 : i32
    %ne3A_27 = arith.xori %lt3A_24, %lt3A_26 : i1
    %and3A_28 = arith.andi %ne3A_27, %ne3A_23 : i1
    %add3A_29 = arith.addi %rem3A_21, %select_n3A_20 : i32
    %select_n3A_30 = arith.select %and3A_28, %add3A_29, %rem3A_21 : i32
    "tpu.region"() ({
      %run_scoped3A = tpu.sem_alloc : memref<!tpu.dma_semaphore, #tpu.memory_space<semaphore_mem>>
      %dma_start3A = arith.constant 0 : i32
      %dma_start3A_84 = arith.constant 0 : i32
      %dma_start3A_85 = tpu.memref_slice %arg2[%select_n3A, %dma_start3A, %dma_start3A_84] : memref<16x8x4096xf32, #tpu.memory_space<hbm>> -> memref<1x8x4096xf32, #tpu.memory_space<hbm>>
      %dma_start3A_86 = tpu.memref_squeeze %dma_start3A_85 : memref<1x8x4096xf32, #tpu.memory_space<hbm>> -> memref<8x4096xf32, #tpu.memory_space<hbm>>
      %dma_start3A_87 = arith.constant 0 : i32
      %dma_start3A_88 = arith.constant 0 : i32
      %dma_start3A_89 = tpu.memref_slice %arg2[%select_n3A, %dma_start3A_87, %dma_start3A_88] : memref<16x8x4096xf32, #tpu.memory_space<hbm>> -> memref<1x8x4096xf32, #tpu.memory_space<hbm>>
      %dma_start3A_90 = tpu.memref_squeeze %dma_start3A_89 : memref<1x8x4096xf32, #tpu.memory_space<hbm>> -> memref<8x4096xf32, #tpu.memory_space<hbm>>
      tpu.enqueue_dma source(%dma_start3A_90 : memref<8x4096xf32, #tpu.memory_space<hbm>>) target(%arg4 : memref<8x4096xf32, #tpu.memory_space<vmem>>) target_semaphore(%run_scoped3A : memref<!tpu.dma_semaphore, #tpu.memory_space<semaphore_mem>>)
      %dma_wait3A_91 = arith.constant 0 : i32
      %dma_wait3A_92 = arith.constant 0 : i32
      %dma_wait3A_93 = tpu.memref_slice %arg2[%select_n3A, %dma_wait3A_91, %dma_wait3A_92] : memref<16x8x4096xf32, #tpu.memory_space<hbm>> -> memref<1x8x4096xf32, #tpu.memory_space<hbm>>
      %dma_wait3A_94 = tpu.memref_squeeze %dma_wait3A_93 : memref<1x8x4096xf32, #tpu.memory_space<hbm>> -> memref<8x4096xf32, #tpu.memory_space<hbm>>
      %dma_wait3A_95 = arith.constant 0 : i32
      %dma_wait3A_96 = arith.constant 0 : i32
      %dma_wait3A_97 = tpu.memref_slice %arg2[%select_n3A, %dma_wait3A_95, %dma_wait3A_96] : memref<16x8x4096xf32, #tpu.memory_space<hbm>> -> memref<1x8x4096xf32, #tpu.memory_space<hbm>>
      %dma_wait3A_98 = tpu.memref_squeeze %dma_wait3A_97 : memref<1x8x4096xf32, #tpu.memory_space<hbm>> -> memref<8x4096xf32, #tpu.memory_space<hbm>>
      tpu.wait_dma2 semaphore(%run_scoped3A : memref<!tpu.dma_semaphore, #tpu.memory_space<semaphore_mem>>) src(%dma_wait3A_98 : memref<8x4096xf32, #tpu.memory_space<hbm>>) dst(%arg4 : memref<8x4096xf32, #tpu.memory_space<vmem>>)
      tpu.yield
    }) : () -> ()
    %mul3A_31 = arith.constant 1024 : i32
    %mul3A_32 = arith.muli %select_n3A_30, %mul3A_31 : i32
    %jit3A_33 = arith.constant 8 : i32
    %div3A_34 = arith.divsi %mul3A_32, %jit3A_33 : i32
    %sign3A_35 = arith.constant 0 : i32
    %sign3A_36 = arith.cmpi sgt, %mul3A_32, %sign3A_35 : i32
    %sign3A_37 = arith.extui %sign3A_36 : i1 to i32
    %sign3A_38 = arith.constant 0 : i32
    %sign3A_39 = arith.cmpi slt, %mul3A_32, %sign3A_38 : i32
    %sign3A_40 = arith.extui %sign3A_39 : i1 to i32
    %sign3A_41 = arith.subi %sign3A_37, %sign3A_40 : i32
    %sign3A_42 = arith.constant 0 : i32
    %sign3A_43 = arith.cmpi sgt, %jit3A_33, %sign3A_42 : i32
    %sign3A_44 = arith.extui %sign3A_43 : i1 to i32
    %sign3A_45 = arith.constant 0 : i32
    %sign3A_46 = arith.cmpi slt, %jit3A_33, %sign3A_45 : i32
    %sign3A_47 = arith.extui %sign3A_46 : i1 to i32
    %sign3A_48 = arith.subi %sign3A_44, %sign3A_47 : i32
    %ne3A_49 = arith.cmpi ne, %sign3A_41, %sign3A_48 : i32
    %rem3A_50 = arith.remsi %mul3A_32, %jit3A_33 : i32
    %ne3A_51 = arith.constant 0 : i32
    %ne3A_52 = arith.cmpi ne, %rem3A_50, %ne3A_51 : i32
    %and3A_53 = arith.andi %ne3A_49, %ne3A_52 : i1
    %sub3A_54 = arith.constant 1 : i32
    %sub3A_55 = arith.subi %div3A_34, %sub3A_54 : i32
    %select_n3A_56 = arith.select %and3A_53, %sub3A_55, %div3A_34 : i32
    %scan3A = arith.constant 0 : i32
    %scan3A_57 = arith.constant 0 : i32
    %scan3A_58 = arith.constant 128 : i32
    %scan3A_59 = arith.addi %scan3A_57, %scan3A_58 : i32
    %scan3A_60 = arith.constant 1 : i32
    scf.for %scan3A_84 = %scan3A_57 to %scan3A_59 step %scan3A_60  : i32 {
      %add3A_85 = arith.addi %select_n3A_56, %scan3A_84 : i32
      %mul3A_86 = arith.constant 8 : i32
      %mul3A_87 = arith.muli %mul3A_86, %add3A_85 : i32
      %sub3A_88 = arith.constant 2040 : i32
      %sub3A_89 = arith.subi %sub3A_88, %mul3A_87 : i32
      %mul3A_90 = arith.constant 256 : i32
      %mul3A_91 = arith.muli %select_n3A, %mul3A_90 : i32
      %add3A_92 = arith.addi %mul3A_91, %add3A_85 : i32
      %dma_start3A = arith.constant 0 : i32
      %dma_start3A_93 = tpu.memref_slice %arg4[%dma_start3A, %sub3A_89] : memref<8x4096xf32, #tpu.memory_space<vmem>> -> memref<8x2048xf32, #tpu.memory_space<vmem>>
      %dma_start3A_94 = arith.constant 0 : i32
      %dma_start3A_95 = arith.constant 0 : i32
      %dma_start3A_96 = tpu.memref_slice %arg3[%add3A_92, %dma_start3A_94, %dma_start3A_95] : memref<4096x8x2048xf32, #tpu.memory_space<hbm>> -> memref<1x8x2048xf32, #tpu.memory_space<hbm>>
      %dma_start3A_97 = tpu.memref_squeeze %dma_start3A_96 : memref<1x8x2048xf32, #tpu.memory_space<hbm>> -> memref<8x2048xf32, #tpu.memory_space<hbm>>
      %dma_start3A_98 = arith.constant 0 : i32
      %dma_start3A_99 = arith.constant 0 : i32
      %dma_start3A_100 = tpu.memref_slice %arg3[%add3A_92, %dma_start3A_98, %dma_start3A_99] : memref<4096x8x2048xf32, #tpu.memory_space<hbm>> -> memref<1x8x2048xf32, #tpu.memory_space<hbm>>
      %dma_start3A_101 = tpu.memref_squeeze %dma_start3A_100 : memref<1x8x2048xf32, #tpu.memory_space<hbm>> -> memref<8x2048xf32, #tpu.memory_space<hbm>>
      %dma_start3A_102 = arith.constant 0 : i32
      %dma_start3A_103 = tpu.memref_slice %arg4[%dma_start3A_102, %sub3A_89] : memref<8x4096xf32, #tpu.memory_space<vmem>> -> memref<8x2048xf32, #tpu.memory_space<vmem>>
      tpu.enqueue_dma source(%dma_start3A_103 : memref<8x2048xf32, #tpu.memory_space<vmem>>) target(%dma_start3A_101 : memref<8x2048xf32, #tpu.memory_space<hbm>>) target_semaphore(%arg5 : memref<!tpu.dma_semaphore, #tpu.memory_space<semaphore_mem>>)
      %gt3A = arith.constant 0 : i32
      %gt3A_104 = arith.cmpi sgt, %scan3A_84, %gt3A : i32
      %convert_element_type3A = arith.extui %gt3A_104 : i1 to i32
      %cond3A = arith.constant 0 : i32
      %cond3A_105 = arith.cmpi ne, %convert_element_type3A, %cond3A : i32
      scf.if %cond3A_105 {
        %add3A_106 = arith.addi %select_n3A_56, %scan3A_84 : i32
        %sub3A_107 = arith.constant 1 : i32
        %sub3A_108 = arith.subi %add3A_106, %sub3A_107 : i32
        %mul3A_109 = arith.constant 8 : i32
        %mul3A_110 = arith.muli %mul3A_109, %sub3A_108 : i32
        %sub3A_111 = arith.constant 2040 : i32
        %sub3A_112 = arith.subi %sub3A_111, %mul3A_110 : i32
        %mul3A_113 = arith.constant 256 : i32
        %mul3A_114 = arith.muli %select_n3A, %mul3A_113 : i32
        %add3A_115 = arith.addi %mul3A_114, %sub3A_108 : i32
        %dma_wait3A_116 = arith.constant 0 : i32
        %dma_wait3A_117 = tpu.memref_slice %arg4[%dma_wait3A_116, %sub3A_112] : memref<8x4096xf32, #tpu.memory_space<vmem>> -> memref<8x2048xf32, #tpu.memory_space<vmem>>
        %dma_wait3A_118 = arith.constant 0 : i32
        %dma_wait3A_119 = arith.constant 0 : i32
        %dma_wait3A_120 = tpu.memref_slice %arg3[%add3A_115, %dma_wait3A_118, %dma_wait3A_119] : memref<4096x8x2048xf32, #tpu.memory_space<hbm>> -> memref<1x8x2048xf32, #tpu.memory_space<hbm>>
        %dma_wait3A_121 = tpu.memref_squeeze %dma_wait3A_120 : memref<1x8x2048xf32, #tpu.memory_space<hbm>> -> memref<8x2048xf32, #tpu.memory_space<hbm>>
        %dma_wait3A_122 = arith.constant 0 : i32
        %dma_wait3A_123 = arith.constant 0 : i32
        %dma_wait3A_124 = tpu.memref_slice %arg3[%add3A_115, %dma_wait3A_122, %dma_wait3A_123] : memref<4096x8x2048xf32, #tpu.memory_space<hbm>> -> memref<1x8x2048xf32, #tpu.memory_space<hbm>>
        %dma_wait3A_125 = tpu.memref_squeeze %dma_wait3A_124 : memref<1x8x2048xf32, #tpu.memory_space<hbm>> -> memref<8x2048xf32, #tpu.memory_space<hbm>>
        %dma_wait3A_126 = arith.constant 0 : i32
        %dma_wait3A_127 = tpu.memref_slice %arg4[%dma_wait3A_126, %sub3A_112] : memref<8x4096xf32, #tpu.memory_space<vmem>> -> memref<8x2048xf32, #tpu.memory_space<vmem>>
        tpu.wait_dma2 semaphore(%arg5 : memref<!tpu.dma_semaphore, #tpu.memory_space<semaphore_mem>>) src(%dma_wait3A_127 : memref<8x2048xf32, #tpu.memory_space<vmem>>) dst(%dma_wait3A_125 : memref<8x2048xf32, #tpu.memory_space<hbm>>)
      } else {
      }
    }
    %scan3A_61 = arith.constant 128 : i32
    %add3A_62 = arith.constant 128 : i32
    %add3A_63 = arith.addi %select_n3A_56, %add3A_62 : i32
    %sub3A_64 = arith.constant 1 : i32
    %sub3A_65 = arith.subi %add3A_63, %sub3A_64 : i32
    %mul3A_66 = arith.constant 8 : i32
    %mul3A_67 = arith.muli %mul3A_66, %sub3A_65 : i32
    %sub3A_68 = arith.constant 2040 : i32
    %sub3A_69 = arith.subi %sub3A_68, %mul3A_67 : i32
    %mul3A_70 = arith.constant 256 : i32
    %mul3A_71 = arith.muli %select_n3A, %mul3A_70 : i32
    %add3A_72 = arith.addi %mul3A_71, %sub3A_65 : i32
    %dma_wait3A = arith.constant 0 : i32
    %dma_wait3A_73 = tpu.memref_slice %arg4[%dma_wait3A, %sub3A_69] : memref<8x4096xf32, #tpu.memory_space<vmem>> -> memref<8x2048xf32, #tpu.memory_space<vmem>>
    %dma_wait3A_74 = arith.constant 0 : i32
    %dma_wait3A_75 = arith.constant 0 : i32
    %dma_wait3A_76 = tpu.memref_slice %arg3[%add3A_72, %dma_wait3A_74, %dma_wait3A_75] : memref<4096x8x2048xf32, #tpu.memory_space<hbm>> -> memref<1x8x2048xf32, #tpu.memory_space<hbm>>
    %dma_wait3A_77 = tpu.memref_squeeze %dma_wait3A_76 : memref<1x8x2048xf32, #tpu.memory_space<hbm>> -> memref<8x2048xf32, #tpu.memory_space<hbm>>
    %dma_wait3A_78 = arith.constant 0 : i32
    %dma_wait3A_79 = arith.constant 0 : i32
    %dma_wait3A_80 = tpu.memref_slice %arg3[%add3A_72, %dma_wait3A_78, %dma_wait3A_79] : memref<4096x8x2048xf32, #tpu.memory_space<hbm>> -> memref<1x8x2048xf32, #tpu.memory_space<hbm>>
    %dma_wait3A_81 = tpu.memref_squeeze %dma_wait3A_80 : memref<1x8x2048xf32, #tpu.memory_space<hbm>> -> memref<8x2048xf32, #tpu.memory_space<hbm>>
    %dma_wait3A_82 = arith.constant 0 : i32
    %dma_wait3A_83 = tpu.memref_slice %arg4[%dma_wait3A_82, %sub3A_69] : memref<8x4096xf32, #tpu.memory_space<vmem>> -> memref<8x2048xf32, #tpu.memory_space<vmem>>
    tpu.wait_dma2 semaphore(%arg5 : memref<!tpu.dma_semaphore, #tpu.memory_space<semaphore_mem>>) src(%dma_wait3A_83 : memref<8x2048xf32, #tpu.memory_space<vmem>>) dst(%dma_wait3A_81 : memref<8x2048xf32, #tpu.memory_space<hbm>>)
    return
  }
}

</mosaic_0001>

<sc_bundles>
// kernel: kernel.3.cloned.1.call-start
scs
__scs_entry_jumppad:
0x0: {  	(pc) =	sbr.rel $0x88, $3  }
0x1: {  	(tag) =	ssettag $0x0;
	lr =	simm.s32 $0x1  }
0x2: {  	[smem:$0x3FA0] =	sst lr;
	_ =	strace $0xD0000000  }
0x3: {  	_ = 	snop  }
0x4: {  	_ = 	snop  }
0x5: {  	_ = 	snop  }
0x6: {  	_ = 	snop  }
0x7: {  	_ = 	snop  }
__scs_overlays_trampoline_lowered:
0x8: {  	[smem:$0x3FAF] =	sst s0  }
0x9: {  	[smem:$0x3FB0] =	sst s1  }
0xa: {  	[smem:$0x3FB1] =	sst s2  }
0xb: {  	[smem:$0x3FB2] =	sst s3  }
0xc: {  	[smem:$0x3FB3] =	sst s4  }
0xd: {  	[smem:$0x3FB4] =	sst s5  }
0xe: {  	[smem:$0x3FB5] =	sst s6  }
0xf: {  	[smem:$0x3FB6] =	sst s7  }
0x10: {  	[smem:$0x3FB7] =	sst s8  }
0x11: {  	[smem:$0x3FB8] =	sst s9;
	s0 =	simm.s32 @!p0 $0x0  }
0x12: {  	s1 =	sld [smem:$0x3F9E];
	s0 =	simm.s32 @p0 $0x1  }
0x13: {  	[smem:$0x3FB9] =	sst s0;
	s0 =	simm.s32 @!p1 $0x0  }
0x14: {  	s2 =	sld [smem:$0x3F9D];
	s0 =	simm.s32 @p1 $0x1  }
0x15: {  	[smem:$0x3FBA] =	sst s0;
	s0 =	simm.s32 @!p2 $0x0  }
0x16: {  	s3 =	sld [smem:$0x3FDB];
	s0 =	simm.s32 @p2 $0x1  }
0x17: {  	s4 =	simm.s32 $0x1BF5;
	[smem:$0x3FBC] =	sst s0  }
0x18: {  	s0 =	sld [smem:$0x3F9F];
	_ =	swait.ge [sflag:s4], $0x0  }
0x19: {  	s7 =	sld [smem:$0x3FA0]  }
0x1a: {  	s8 =	sadd.s32 $0xFFFFE003, lr  }
0x1b: {  	s9 =	sadd.s32 $0xFFFFFEF7, lr;
	s5 =	simm.s32 $0xFFFFFFFF;
	p2 =	slt.u32 s8, $0xFFFFF086  }
0x1c: {  	p1 =	slt.u32 s9, $0xF7A;
	s5 =	simm.s32 @!p2 $0x0  }
0x1d: {  	s5 =	simm.s32 @p1 $0x1;
	p0 =	seq.s32 s7, s2  }
0x1e: {  	s7 =	smul.u32 @!p0 $0xF7A, s2;
	p2 =	seq.s32 @!p0 s5, $0x0  }
0x1f: {  	s9 =	smul.u32 $0xF7A, s1;
	s8 =	simm.s32 @!p0 $0x1BF5;
	p2 =	por !p2, p0  }
0x20: {  	[sflag:s8] =	ssyncset.s32 @!p0 $0xFFFFF086;
	s6 =	sadd.s32 @!p0 s3, s7;
	s7 =	simm.s32 @!p0 $0x108  }
0x21: {  	s3 =	sadd.s32 s3, s9;
	s6 =	sadd.s32 @!p0 $0x88, s6;
	s7 =	simm.s32 @p2 $0x1082  }
0x22: {  	[simem:s7], [sflag:s8] =	dma.local @!p0 [hbm:s6], $0xF7A  }
0x23: {  	s9 =	sor.u32 $0xD0000000, s2;
	s6 =	simm.s32 $0x108;
	_ =	swait.ge @!p0 [sflag:s8], $0x0  }
0x24: {  	s3 =	sadd.s32 $0x88, s3;
	s6 =	simm.s32 @!p1 $0x1082;
	[sflag:s4] =	ssyncset.s32 $0xFFFFF086  }
0x25: {  	[simem:s6], [sflag:s4] =	dma.local [hbm:s3], $0xF7A  }
0x26: {  	[smem:$0x3FA0] =	sst s1;
	(tag) =	ssettag s2;
	_ =	strace s9  }
0x27: {  	s1 =	sld [smem:$0x3FB0]  }
0x28: {  	s2 =	sld [smem:$0x3FB1]  }
0x29: {  	s4 =	sld [smem:$0x3FB3]  }
0x2a: {  	p0 =	seq.s32 s5, $0x0;
	s5 =	sld [smem:$0x3FB4]  }
0x2b: {  	s6 =	sld [smem:$0x3FB5]  }
0x2c: {  	s7 =	sld [smem:$0x3FB6]  }
0x2d: {  	s3 =	simm.s32 $0x108;
	s8 =	sld [smem:$0x3FB7]  }
0x2e: {  	s3 =	simm.s32 @!p0 $0x1082;
	s9 =	sld [smem:$0x3FB8]  }
0x2f: {  	lr =	sadd.s32 s0, s3;
	s0 =	sld [smem:$0x3FAF]  }
0x30: {  	s3 =	sld [smem:$0x3FB2]  }
0x31: {  	[smem:$0x3FBB] =	sst s10  }
0x32: {  	s10 =	sld [smem:$0x3FB9];
	_ =	sdelay $0x3  }
0x33: {  	p0 =	seq.s32 s10, $0x1;
	s10 =	sld [smem:$0x3FBB];
	_ =	sdelay $0x3  }
0x34: {  	[smem:$0x3FBB] =	sst s10  }
0x35: {  	s10 =	sld [smem:$0x3FBA];
	_ =	sdelay $0x3  }
0x36: {  	p1 =	seq.s32 s10, $0x1;
	s10 =	sld [smem:$0x3FBB];
	_ =	sdelay $0x3  }
0x37: {  	[smem:$0x3FBB] =	sst s10  }
0x38: {  	s10 =	sld [smem:$0x3FBC]  }
0x39: {  	_ = 	snop;
	(pc) =	sbr.ind lr, $3  }
0x3a: {  	_ = 	snop  }
0x3b: {  	_ = 	snop  }
0x3c: {  	p2 =	seq.s32 s10, $0x1;
	s10 =	sld [smem:$0x3FBB]  }
0x3d: {  	_ =	shalt  }
0x3e: {  	_ =	shalt  }
0x3f: {  	_ =	shalt  }
0x40: {  	_ =	shalt  }
0x41: {  	_ =	shalt  }
0x42: {  	_ =	shalt  }
0x43: {  	_ =	shalt  }
0x44: {  	_ =	shalt  }
0x45: {  	_ =	shalt  }
0x46: {  	_ =	shalt  }
0x47: {  	_ =	shalt  }
0x48: {  	_ =	shalt  }
0x49: {  	_ =	shalt  }
0x4a: {  	_ =	shalt  }
0x4b: {  	_ =	shalt  }
0x4c: {  	_ =	shalt  }
0x4d: {  	_ =	shalt  }
0x4e: {  	_ =	shalt  }
0x4f: {  	_ =	shalt  }
0x50: {  	_ =	shalt  }
0x51: {  	_ =	shalt  }
0x52: {  	_ =	shalt  }
0x53: {  	_ =	shalt  }
0x54: {  	_ =	shalt  }
0x55: {  	_ =	shalt  }
0x56: {  	_ =	shalt  }
0x57: {  	_ =	shalt  }
0x58: {  	_ =	shalt  }
0x59: {  	_ =	shalt  }
0x5a: {  	_ =	shalt  }
0x5b: {  	_ =	shalt  }
0x5c: {  	_ =	shalt  }
0x5d: {  	_ =	shalt  }
0x5e: {  	_ =	shalt  }
0x5f: {  	_ =	shalt  }
0x60: {  	_ =	shalt  }
0x61: {  	_ =	shalt  }
0x62: {  	_ =	shalt  }
0x63: {  	_ =	shalt  }
0x64: {  	_ =	shalt  }
0x65: {  	_ =	shalt  }
0x66: {  	_ =	shalt  }
0x67: {  	_ =	shalt  }
0x68: {  	_ =	shalt  }
0x69: {  	_ =	shalt  }
0x6a: {  	_ =	shalt  }
0x6b: {  	_ =	shalt  }
0x6c: {  	_ =	shalt  }
0x6d: {  	_ =	shalt  }
0x6e: {  	_ =	shalt  }
0x6f: {  	_ =	shalt  }
0x70: {  	_ =	shalt  }
0x71: {  	_ =	shalt  }
0x72: {  	_ =	shalt  }
0x73: {  	_ =	shalt  }
0x74: {  	_ =	shalt  }
0x75: {  	_ =	shalt  }
0x76: {  	_ =	shalt  }
0x77: {  	_ =	shalt  }
0x78: {  	_ =	shalt  }
0x79: {  	_ =	shalt  }
0x7a: {  	_ =	shalt  }
0x7b: {  	_ =	shalt  }
0x7c: {  	_ =	shalt  }
0x7d: {  	_ =	shalt  }
0x7e: {  	_ =	shalt  }
0x7f: {  	_ =	shalt  }
0x80: {  	_ =	shalt  }
0x81: {  	_ =	shalt  }
0x82: {  	_ =	shalt  }
0x83: {  	_ =	shalt  }
0x84: {  	_ =	shalt  }
0x85: {  	_ =	shalt  }
0x86: {  	_ =	shalt  }
0x87: {  	_ =	shalt  }
.Lfunc_end0:
.L_simem_size_0:
called_computation_lowered:
.L_overlay_start_0:
0x88: {  	s2 =	sld [smem:$0x3FD9]  }
0x89: {  	s3 =	sld [smem:$0x3FFE];
	_ =	sdelay $0x1  }
0x8a: {  	s1 =	srdreg.scid  }
0x8b: {  	s0 =	sand.u32 $0x1, s1  }
0x8c: {  	s17 =	sshll.u32 s0, $0xA;
	s2 =	sadd.s32 s3, s2  }
0x8d: {  	s2 =	sadd.s32 s2, s17  }
0x8e: {  	[smem:$0x3FC7] =	sst s2  }
0x8f: {  	_ = 	snop  }
0x90: {  	s2 =	sld [smem:$0x3FD0];
	(tm) =	ssettm $0x1  }
0x91: {  	s18 =	sld [smem:$0x3FFB];
	_ =	sdelay $0x3  }
0x92: {  	_ =	strace s18  }
0x93: {  	s3 =	sld [smem:$0x3FFC];
	_ =	sdelay $0x3  }
0x94: {  	_ =	strace s3  }
0x95: {  	s3 =	sld [smem:$0x3FFD];
	_ =	sdelay $0x3  }
0x96: {  	_ =	strace s3  }
0x97: {  	_ =	strace $0x8FFFFFFF  }
0x98: {  	s19 =	sld [smem:$0x3FDB];
	_ =	sdelay $0x1  }
0x99: {  	s4 =	simm.s32 $_scs_section_size  }
0x9a: {  	s5 =	simm.s32 $_size__tile_overlayer_lowered;
	s6 =	simm.s32 $_tile_overlayer_lowered  }
0x9b: {  	s22 =	simm.s32 $0x1BFF;
	s21 =	sshll.u32 s6, $0x1;
	s3 =	sadd.s32 s4, s19  }
0x9c: {  	s7 =	simm.s32 $0x0;
	s20 =	sshll.u32 s5, $0x1;
	s5 =	sadd.s32 s21, s3  }
0x9d: {  	[timem:s7], [sflag:s22] =	dma.local [hbm:s5], s20  }
0x9e: {  	_ =	swait.ge [sflag:s22], s20  }
0x9f: {  	s4 =	ssub.s32 $0x0, s20;
	[sflag:s22] =	ssyncset.done $0x0  }
0xa0: {  	[sflag:s22] =	ssyncadd.s32 s4;
	_ =	sdelay $0x1  }
0xa1: {  	s23 =	simm.s32 $0x1B8B  }
0xa2: {  	_ =	swait.ge [sflag:s23], $0x1  }
0xa3: {  	[sflag:s23] =	ssyncset.done $0x0  }
0xa4: {  	s25 =	simm.s32 $0x1B8E;
	s24 =	sld [smem:$0x3FFE];
	[sflag:s23] =	ssyncadd.s32 $0xFFFFFFFF  }
0xa5: {  	s26 =	simm.s32 $execute0_lowered;
	[smem:$0x3FD2] =	sst s25  }
0xa6: {  	s5 =	sshll.u32 s26, $0x1;
	_ =	strace $0x80000046;
	[dreg:$0x1] =	wrdreg $0xFFFFFFFF  }
0xa7: {  	s28 =	simm.s32 $_size_execute0_lowered;
	s3 =	sadd.s32 s3, s5;
	[dreg:$0x0] =	wrdreg $0x0  }
0xa8: {  	s5 =	sshll.u32 s28, $0x1;
	[dreg:$0x2] =	wrdreg s3  }
0xa9: {  	[dreg:$0x3] =	wrdreg s5  }
0xaa: {  	[dreg:$0x4] =	wrdreg $0xC0  }
0xab: {  	_ =	task [dreg:s7], $0x5FFFF  }
0xac: {  	[dreg:$0x1] =	wrdreg $0xFFFFFFFF  }
0xad: {  	[dreg:$0x0] =	wrdreg $0x60  }
0xae: {  	[dreg:$0x2] =	wrdreg s2  }
0xaf: {  	[dreg:$0x3] =	wrdreg s24  }
0xb0: {  	[dreg:$0x4] =	wrdreg $0x9  }
0xb1: {  	_ =	task.clear_ibuf [dreg:s7], $0x5FFFF;
	_ =	strace $0x90000046  }
0xb2: {  	s29 =	simm.s32 $0x9;
	_ =	strace $0x80000048  }
0xb3: {  	_ =	swait.ge [sflag:s29], $0x1  }
0xb4: {  	[sflag:s29] =	ssyncadd.s32 $0xFFFFFFFF  }
0xb5: {  	_ =	strace $0x90000048  }
0xb6: {  	_ =	sfence  }
0xb7: {  	s30 =	sld [smem:$0x0];
	_ =	sdelay $0x2  }
0xb8: {  	s31 =	sshll.u32 s1, $0xD;
	s1 =	sshrl.u32 s1, $0x2  }
0xb9: {  	s3 =	sand.u32 $0x4000, s31;
	s1 =	sadd.s32 s1, s30  }
0xba: {  	s0 =	sor.u32 s3, s0;
	s1 =	sshll.u32 s1, $0x11  }
0xbb: {  	s0 =	sor.u32 s1, s0  }
0xbc: {  	s0 =	sadd.s32 $0x8F2B, s0  }
0xbd: {  	[sflag:s0] =	ssyncadd.remote.s32 $0x1  }
0xbe: {  	_ =	sfence.sel $0xFFFF  }
0xbf: {  	[dreg:$0x0] =	wrdreg $0xFFFFFFFF;
	(pc) =	sbr.abs _section_cstart, $3  }
0xc0: {  	[dreg:$0x1] =	wrdreg $0xFFFFFFFF  }
0xc1: {  	_ =	task.clear_ibuf [dreg:s7], $0x2FFFF;
	_ =	strace $0x9FFFFFFF  }
0xc2: {  	(tm) =	ssettm $0x7FFFFFFF  }
0xc3: {  	_ =	shalt  }
tec
execute0_lowered:
.L_overlay_start_1:
0x0: {  	(tag) =	ssettag $0x1  }
0x1: {  	s1 =	srdreg.scid  }
0x2: {  	s0 =	stileid.u32;
	s4 =	rddreg [dreg:$0x0]  }
0x3: {  	s3 =	rddreg [dreg:$0x1];
	s2 =	simm.s32 $0x0;
	s5 =	simm.s32 $0x1  }
0x4: {  	s25 =	simm.s32 $0x0;
	s13 =	sand.u32 $0x1, s1;
	[smem:$0x7FF] =	sst s2  }
0x5: {  	s15 =	sadd.s32 $0x400, s3;
	s3 =	simm.s32 $0x1;
	s1 =	sor.u32 s13, s0  }
0x6: {  	p1 =	seq.s32 s13, $0x1;
	s6 =	ssub.s32 $0x2, s13;
	_ =	strace $0x80000047  }
0x7: {  	s8 =	sshll.u32 s13, $0x15;
	s16 =	sshll.u32 s13, $0xA;
	p0 =	seq.s32 s1, $0x0  }
0x8: {  	s17 =	sshll.u32 s13, $0xC;
	s7 =	sshrl.u32 s6, $0x1;
	p0 =	por !p0, !p1  }
0x9: {  	s9 =	sxor.u32 $0x27F8, s16;
	s10 =	sxor.u32 $0x37F8, s16;
	p0 =	por !p0, !p0  }
0xa: {  	s11 =	sxor.u32 $0x47F8, s16;
	s12 =	sxor.u32 $0x57F8, s16;
	s5 =	simm.s32 @!p0 $0x0  }
0xb: {  	s13 =	sxor.u32 $0x67F8, s16;
	s17 =	ssub.s32 $0x0, s17;
	s5 =	ssub.s32 s0, s5  }
0xc: {  	s6 =	ssub.s32 s6, s7;
	s29 =	sshll.u32 s5, $0xC;
	s5 =	sshll.u32 s5, $0x16  }
0xd: {  	s30 =	sand.u32 $0x1FFFF000, s29;
	s14 =	sor.u32 s5, s8;
	s5 =	smax.u32 s6, $0x1  }
0xe: {  	s6 =	sxor.u32 $0x7F8, s16;
	s8 =	sxor.u32 $0x17F8, s16;
	s31 =	sshrl.u32 s14, $0x3  }
0xf: {  	s4 =	sadd.s32 s4, s30;
	s14 =	sor.u32 $0x4000, s14;
	s7 =	sadd.s32 s15, s31  }
0x10: {  	s18 =	sshrl.u32 s14, $0x3;
	s14 =	sxor.u32 $0x77F8, s16;
	s16 =	sshra.s32 s17, $0x2  }
0x11: {  	s17 =	simm.s32 $0x2;
	s15 =	sadd.s32 s18, s15;
	s18 =	sadd.s32 $0x100, s7  }
0x12: {  	s19 =	sadd.s32 $0x200, s7;
	s20 =	sadd.s32 $0x300, s7;
	s21 =	sadd.s32 $0x400, s7  }
0x13: {  	s22 =	sadd.s32 $0x500, s7;
	s23 =	sadd.s32 $0x600, s7;
	s24 =	sadd.s32 $0x700, s7  }
.LBB2_1:
0x14: {  	[tilespmem:s2], [sflag:$0x2] =	stream.linear.gather [hbm4b:s4+s2], $0x8000, $0x38;
	[tilespmem:$0x8000] =	vst v63  }
0x15: {  	_ =	swait.ge [sflag:s17], $0x8000  }
0x16: {  	[sflag:s17] =	ssyncset.done $0x0  }
0x17: {  	[sflag:s17] =	ssyncadd.s32 $0xFFFF8000  }
0x18: {  	[hbm4b:s7+s2] =	stream.linear.scatter [tilespmem:s6], [sflag:$0x1], $0x800, $0x38;
	[tilespmem:$0x8000] =	vst v63  }
0x19: {  	_ = 	snop  }
0x1a: {  	[hbm4b:s18+s2] =	stream.linear.scatter [tilespmem:s8], [sflag:$0x1], $0x800, $0x38;
	[tilespmem:$0x8000] =	vst v63  }
0x1b: {  	_ = 	snop  }
0x1c: {  	[hbm4b:s19+s2] =	stream.linear.scatter [tilespmem:s9], [sflag:$0x1], $0x800, $0x38;
	[tilespmem:$0x8000] =	vst v63  }
0x1d: {  	_ = 	snop  }
0x1e: {  	[hbm4b:s20+s2] =	stream.linear.scatter [tilespmem:s10], [sflag:$0x1], $0x800, $0x38;
	[tilespmem:$0x8000] =	vst v63  }
0x1f: {  	_ = 	snop  }
0x20: {  	[hbm4b:s21+s2] =	stream.linear.scatter [tilespmem:s11], [sflag:$0x1], $0x800, $0x38;
	[tilespmem:$0x8000] =	vst v63  }
0x21: {  	_ = 	snop  }
0x22: {  	[hbm4b:s22+s2] =	stream.linear.scatter [tilespmem:s12], [sflag:$0x1], $0x800, $0x38;
	[tilespmem:$0x8000] =	vst v63  }
0x23: {  	_ = 	snop  }
0x24: {  	[hbm4b:s23+s2] =	stream.linear.scatter [tilespmem:s13], [sflag:$0x1], $0x800, $0x38;
	[tilespmem:$0x8000] =	vst v63  }
0x25: {  	s26 =	sadd.s32 $0x0, s16  }
0x26: {  	[hbm4b:s24+s2] =	stream.linear.scatter [tilespmem:s14], [sflag:$0x1], $0x800, $0x38;
	[tilespmem:$0x8000] =	vst v63  }
0x27: {  	s28 =	sadd.s32 $0x7F0, s26  }
0x28: {  	[hbm4b:s15+s2] =	stream.linear.scatter [tilespmem:s28], [sflag:$0x1], $0x800, $0x38;
	[tilespmem:$0x8000] =	vst v63  }
0x29: {  	s29 =	sadd.s32 $0x100, s15;
	s28 =	sadd.s32 $0x17F0, s26  }
0x2a: {  	[hbm4b:s29+s2] =	stream.linear.scatter [tilespmem:s28], [sflag:$0x1], $0x800, $0x38;
	[tilespmem:$0x8000] =	vst v63  }
0x2b: {  	s28 =	sadd.s32 $0x27F0, s26;
	s29 =	sadd.s32 $0x200, s15  }
0x2c: {  	[hbm4b:s29+s2] =	stream.linear.scatter [tilespmem:s28], [sflag:$0x1], $0x800, $0x38;
	[tilespmem:$0x8000] =	vst v63  }
0x2d: {  	s28 =	sadd.s32 $0x37F0, s26;
	s29 =	sadd.s32 $0x300, s15  }
0x2e: {  	[hbm4b:s29+s2] =	stream.linear.scatter [tilespmem:s28], [sflag:$0x1], $0x800, $0x38;
	[tilespmem:$0x8000] =	vst v63  }
0x2f: {  	s28 =	sadd.s32 $0x47F0, s26;
	s29 =	sadd.s32 $0x400, s15  }
0x30: {  	[hbm4b:s29+s2] =	stream.linear.scatter [tilespmem:s28], [sflag:$0x1], $0x800, $0x38;
	[tilespmem:$0x8000] =	vst v63  }
0x31: {  	s28 =	sadd.s32 $0x57F0, s26;
	s29 =	sadd.s32 $0x500, s15  }
0x32: {  	[hbm4b:s29+s2] =	stream.linear.scatter [tilespmem:s28], [sflag:$0x1], $0x800, $0x38;
	[tilespmem:$0x8000] =	vst v63  }
0x33: {  	s28 =	sadd.s32 $0x67F0, s26;
	s29 =	sadd.s32 $0x600, s15  }
0x34: {  	[hbm4b:s29+s2] =	stream.linear.scatter [tilespmem:s28], [sflag:$0x1], $0x800, $0x38;
	[tilespmem:$0x8000] =	vst v63  }
0x35: {  	s26 =	sadd.s32 $0x77F0, s26;
	s28 =	sadd.s32 $0x700, s15  }
0x36: {  	[hbm4b:s28+s2] =	stream.linear.scatter [tilespmem:s26], [sflag:$0x1], $0x800, $0x38;
	[tilespmem:$0x8000] =	vst v63  }
0x37: {  	s29 =	simm.s32 $0xFFFFFFF8;
	_ =	swait.ge [sflag:s3], $0x4000  }
0x38: {  	s28 =	simm.s32 $0xFFFFFFC0;
	s26 =	sadd.s32 $0x800, s15;
	[sflag:s3] =	ssyncset.done $0x0  }
.LBB2_2:
0x39: {  	s29 =	sadd.s32 s29, s16  }
0x3a: {  	[sflag:s3] =	ssyncadd.s32 $0xFFFFC000;
	s30 =	smov.u32 s28;
	s31 =	sadd.s32 $0xFFFFFFE0, s28  }
0x3b: {  	p0 =	sne.s32 s28, $0xFFFFF040;
	s28 =	sadd.s32 $0x7F0, s29  }
0x3c: {  	[hbm4b:s26+s2] =	stream.linear.scatter [tilespmem:s28], [sflag:$0x1], $0x800, $0x38;
	[tilespmem:$0x8000] =	vst v63  }
0x3d: {  	s1 =	sadd.s32 $0x100, s26;
	s28 =	sadd.s32 $0x17F0, s29  }
0x3e: {  	[hbm4b:s1+s2] =	stream.linear.scatter [tilespmem:s28], [sflag:$0x1], $0x800, $0x38;
	[tilespmem:$0x8000] =	vst v63  }
0x3f: {  	s1 =	sadd.s32 $0x27F0, s29;
	s28 =	sadd.s32 $0x200, s26  }
0x40: {  	[hbm4b:s28+s2] =	stream.linear.scatter [tilespmem:s1], [sflag:$0x1], $0x800, $0x38;
	[tilespmem:$0x8000] =	vst v63  }
0x41: {  	s1 =	sadd.s32 $0x37F0, s29;
	s28 =	sadd.s32 $0x300, s26  }
0x42: {  	[hbm4b:s28+s2] =	stream.linear.scatter [tilespmem:s1], [sflag:$0x1], $0x800, $0x38;
	[tilespmem:$0x8000] =	vst v63  }
0x43: {  	s1 =	sadd.s32 $0x47F0, s29;
	s28 =	sadd.s32 $0x400, s26  }
0x44: {  	[hbm4b:s28+s2] =	stream.linear.scatter [tilespmem:s1], [sflag:$0x1], $0x800, $0x38;
	[tilespmem:$0x8000] =	vst v63  }
0x45: {  	s1 =	sadd.s32 $0x57F0, s29;
	s28 =	sadd.s32 $0x500, s26  }
0x46: {  	[hbm4b:s28+s2] =	stream.linear.scatter [tilespmem:s1], [sflag:$0x1], $0x800, $0x38;
	[tilespmem:$0x8000] =	vst v63  }
0x47: {  	s1 =	sadd.s32 $0x67F0, s29;
	s28 =	sadd.s32 $0x600, s26  }
0x48: {  	[hbm4b:s28+s2] =	stream.linear.scatter [tilespmem:s1], [sflag:$0x1], $0x800, $0x38;
	[tilespmem:$0x8000] =	vst v63  }
.Ltmp0:
0x49: {  	_ = 	snop;
	(pc) =	sbr.rel @p0 .LBB2_2-.Ltmp0, $4  }
0x4a: {  	s1 =	sadd.s32 $0x77F0, s29;
	s28 =	sadd.s32 $0x700, s26  }
0x4b: {  	[hbm4b:s28+s2] =	stream.linear.scatter [tilespmem:s1], [sflag:$0x1], $0x800, $0x38;
	[tilespmem:$0x8000] =	vst v63  }
0x4c: {  	s29 =	sshra.s32 s30, $0x2;
	_ =	swait.ge [sflag:s3], $0x4000  }
0x4d: {  	s26 =	sadd.s32 $0x800, s26;
	s28 =	smov.u32 s31;
	[sflag:s3] =	ssyncset.done $0x0  }
0x4e: {  	s1 =	sadd.s32 s29, s16  }
0x4f: {  	[sflag:s3] =	ssyncadd.s32 $0xFFFFC000;
	s28 =	sadd.s32 $0x7F0, s1  }
0x50: {  	[hbm4b:s26+s2] =	stream.linear.scatter [tilespmem:s28], [sflag:$0x1], $0x800, $0x38;
	[tilespmem:$0x8000] =	vst v63  }
0x51: {  	s30 =	sadd.s32 $0x100, s26;
	s31 =	sadd.s32 $0x17F0, s1  }
0x52: {  	[hbm4b:s30+s2] =	stream.linear.scatter [tilespmem:s31], [sflag:$0x1], $0x800, $0x38;
	[tilespmem:$0x8000] =	vst v63  }
0x53: {  	s31 =	sadd.s32 $0x27F0, s1;
	s30 =	sadd.s32 $0x200, s26  }
0x54: {  	[hbm4b:s30+s2] =	stream.linear.scatter [tilespmem:s31], [sflag:$0x1], $0x800, $0x38;
	[tilespmem:$0x8000] =	vst v63  }
0x55: {  	s31 =	sadd.s32 $0x37F0, s1;
	s30 =	sadd.s32 $0x300, s26  }
0x56: {  	[hbm4b:s30+s2] =	stream.linear.scatter [tilespmem:s31], [sflag:$0x1], $0x800, $0x38;
	[tilespmem:$0x8000] =	vst v63  }
0x57: {  	s31 =	sadd.s32 $0x47F0, s1;
	s30 =	sadd.s32 $0x400, s26  }
0x58: {  	[hbm4b:s30+s2] =	stream.linear.scatter [tilespmem:s31], [sflag:$0x1], $0x800, $0x38;
	[tilespmem:$0x8000] =	vst v63  }
0x59: {  	s31 =	sadd.s32 $0x57F0, s1;
	s30 =	sadd.s32 $0x500, s26  }
0x5a: {  	[hbm4b:s30+s2] =	stream.linear.scatter [tilespmem:s31], [sflag:$0x1], $0x800, $0x38;
	[tilespmem:$0x8000] =	vst v63  }
0x5b: {  	s31 =	sadd.s32 $0x67F0, s1;
	s30 =	sadd.s32 $0x600, s26  }
0x5c: {  	[hbm4b:s30+s2] =	stream.linear.scatter [tilespmem:s31], [sflag:$0x1], $0x800, $0x38;
	[tilespmem:$0x8000] =	vst v63  }
0x5d: {  	s25 =	sadd.s32 $0x1, s25;
	s1 =	sadd.s32 $0x77F0, s1;
	s31 =	sadd.s32 $0x700, s26  }
0x5e: {  	[hbm4b:s31+s2] =	stream.linear.scatter [tilespmem:s1], [sflag:$0x1], $0x800, $0x38;
	[tilespmem:$0x8000] =	vst v63  }
0x5f: {  	p0 =	sne.s32 s25, s5;
	_ =	swait.ge [sflag:s3], $0x4000  }
.Ltmp1:
0x60: {  	[sflag:s3] =	ssyncset.done $0x0;
	(pc) =	sbr.rel @p0 .LBB2_1-.Ltmp1, $4  }
0x61: {  	[sflag:s3] =	ssyncadd.s32 $0xFFFFC000  }
0x62: {  	_ =	swait.ge [sflag:s3], $0x4000  }
0x63: {  	[sflag:s3] =	ssyncset.done $0x0  }
0x64: {  	[sflag:s3] =	ssyncadd.s32 $0xFFFFC000  }
0x65: {  	_ =	sfence.sel $0x180000  }
0x66: {  	[bflag:$0x0] =	sbarrier.arrive $0xFFFF  }
0x67: {  	_ =	strace $0x90000047  }
0x68: {  	[bflag:$0x2] =	sbarrier.arrive $0xFFFF  }
0x69: {  	p0 =	sne.s32 s0, $0x0;
	s0 =	rddreg [dreg:$0x2]  }
0x6a: {  	s0 =	sadd.s32 @!p0 $0x100000, s0  }
0x6b: {  	[sflag:s0] =	ssyncadd.tile.s32 @!p0 $0x1;
	_ =	shalt  }
.Lfunc_end2:
_tile_overlayer_lowered:
.L_overlay_start_2:
0x6c: {  	(tag) =	ssettag $0x2  }
0x6d: {  	s0 =	rddreg [dreg:$0x0];
	s2 =	stileid.u32  }
0x6e: {  	s1 =	rddreg [dreg:$0x1];
	p0 =	sne.s32 s2, $0x0  }
0x6f: {  	s3 =	rddreg [dreg:$0x2];
	[bflag:$0x3] =	sbarrier.arrive $0xFFFF;
	s2 =	simm.s32 @!p0 $0x1C02  }
0x70: {  	[timem:s3], [sflag:s2] =	dma.local @!p0 [hbm:s0], s1  }
0x71: {  	s0 =	simm.s32 @!p0 $0x2  }
0x72: {  	_ =	swait.ge @!p0 [sflag:s0], s1  }
0x73: {  	s1 =	ssub.s32 @!p0 $0x0, s1;
	[sflag:s0] =	ssyncset.done @!p0 $0x0  }
0x74: {  	[sflag:s0] =	ssyncadd.s32 @!p0 s1  }
0x75: {  	[bflag:$0x3] =	sbarrier.arrive $0xFFFF  }
0x76: {  	_ =	shalt  }

</sc_bundles>
